<compile_context>
chip_gen: v7x
topology: tpu7x:2x2x1
jax: 0.10.2.dev20260603
libtpu: 0.0.44.dev20260713+nightly
codegen_flags: <defaults>
</compile_context>

<pallas_src>
import functools

import jax
import jax.numpy as jnp
from jax import lax
from jax.experimental import pallas as pl
from jax.experimental.pallas import tpu as pltpu
from jax.experimental.pallas import tpu_sc as plsc

NUM_EMB = 100000
DIM = 128
BATCH = 4096
HIST = 200
TOT = BATCH * HIST
NC, NS = 2, 16
NW = NC * NS
PER_W = TOT // NW
CHUNK = 128
NCHUNK = PER_W // CHUNK
PAIR = 2 * CHUNK
NPAIR = NCHUNK // 2


def _sc_gather(x_flat, weight):
    mesh = plsc.VectorSubcoreMesh(core_axis_name="c", subcore_axis_name="s")

    @functools.partial(
        pl.kernel,
        out_type=jax.ShapeDtypeStruct((TOT, DIM), jnp.float32),
        mesh=mesh,
        scratch_types=[
            pltpu.VMEM((NCHUNK, CHUNK), jnp.int32),
            pltpu.VMEM((4 * CHUNK, DIM), jnp.float32),
            [pltpu.SemaphoreType.DMA for _ in range(4)],
            [pltpu.SemaphoreType.DMA for _ in range(2)],
        ],
    )
    def k(x_hbm, table_hbm, out_hbm, idx_v, rows, sem_g, sem_p):
        wid = lax.axis_index("s") * NC + lax.axis_index("c")
        base = wid * PER_W
        pltpu.sync_copy(x_hbm.at[wid], idx_v)

        def gather_descr(c, slot):
            return pltpu.make_async_copy(
                table_hbm.at[idx_v.at[c]],
                rows.at[pl.ds(slot * CHUNK, CHUNK)],
                sem_g[slot])

        def put_descr(p, h):
            off = pl.multiple_of(base + p * PAIR, PAIR)
            return pltpu.make_async_copy(
                rows.at[pl.ds(h * PAIR, PAIR)],
                out_hbm.at[pl.ds(off, PAIR)],
                sem_p[h])

        gather_descr(0, 0).start()
        gather_descr(1, 1).start()

        def body(g, _):
            for h in range(2):
                p = 2 * g + h
                ho = 1 - h

                @pl.when(p >= 1)
                def _():
                    put_descr(p - 1, ho).wait()

                @pl.when(p + 1 < NPAIR)
                def _():
                    gather_descr(2 * p + 2, 2 * ho).start()
                    gather_descr(2 * p + 3, 2 * ho + 1).start()

                gather_descr(2 * p, 2 * h).wait()
                gather_descr(2 * p + 1, 2 * h + 1).wait()
                put_descr(p, h).start()
            return _

        lax.fori_loop(0, NPAIR // 2, body, None)
        put_descr(NPAIR - 1, 1).wait()

    return k(x_flat, weight)


def kernel(x, weight):
    x_flat = x.reshape(NW, NCHUNK, CHUNK)
    out = _sc_gather(x_flat, weight)
    return out.reshape(BATCH, HIST, DIM)

# --- scband reference (transcript-rebuilt; emitter-appended) ---
"""Pipeline reference for scband-vocab-parallel-embedding-29515015258607 (READ-ONLY COPY).

The authoritative reference and input builder live on the scoring server;
editing this copy changes nothing except your own understanding.
"""

import jax, jax.numpy as jnp
import numpy as np

NUM_EMBEDDINGS = 100000
EMBEDDING_DIM = 128
BATCH = 4096
HIST = 200

def setup_inputs(seed: int = 0) -> dict:
    key = jax.random.key(seed)
    k_idx, k_w = jax.random.split(key)
    x = jax.random.randint(k_idx, (BATCH, HIST), 0, NUM_EMBEDDINGS, dtype=jnp.int32)
    weight = jax.random.normal(k_w, (NUM_EMBEDDINGS, EMBEDDING_DIM), dtype=jnp.float32) * 0.01
    return {"x": x, "weight": weight}

def reference(x, weight):
    # tp_size == 1 path: plain embedding gather, no masking or psum needed.
    local_x = x
    y = weight[local_x]
    return y

if __name__ == "__main__":
    import jax
    _d = setup_inputs()
    print(jax.jit(kernel)(*tuple(_d.values())))

</pallas_src>

<mosaic_0001>
#map = affine_map<(d0, d1) -> (0, 0, 0)>
#map1 = affine_map<(d0, d1) -> (0, 0)>
module attributes {stable_mosaic.version = 14 : i64} {
  func.func @k(%arg0: i32, %arg1: i32, %arg2: memref<32x200x128xi32, #tpu.memory_space<hbm>>, %arg3: memref<100000x128xf32, #tpu.memory_space<hbm>>, %arg4: memref<819200x128xf32, #tpu.memory_space<hbm>>, %arg5: memref<200x128xi32, #tpu.memory_space<vmem>>, %arg6: memref<512x128xf32, #tpu.memory_space<vmem>>, %arg7: memref<!tpu.dma_semaphore, #tpu.memory_space<semaphore_mem>>, %arg8: memref<!tpu.dma_semaphore, #tpu.memory_space<semaphore_mem>>, %arg9: memref<!tpu.dma_semaphore, #tpu.memory_space<semaphore_mem>>, %arg10: memref<!tpu.dma_semaphore, #tpu.memory_space<semaphore_mem>>, %arg11: memref<!tpu.dma_semaphore, #tpu.memory_space<semaphore_mem>>, %arg12: memref<!tpu.dma_semaphore, #tpu.memory_space<semaphore_mem>>) attributes {dimension_semantics = [#tpu.dimension_semantics<core_parallel>, #tpu.dimension_semantics<subcore_parallel>], iteration_bounds = array<i64: 2, 16>, scalar_prefetch = 0 : i64, scratch_operands = 8 : i64, tpu.core_type = #tpu.core_type<sc_vector_subcore>, window_params = [{transform_indices = #map}, {transform_indices = #map1}, {transform_indices = #map1}]} {
    %mul3A = arith.constant 2 : i32
    %mul3A_0 = arith.muli %arg1, %mul3A : i32
    %add3A = arith.addi %mul3A_0, %arg0 : i32
    %mul3A_1 = arith.constant 25600 : i32
    %mul3A_2 = arith.muli %add3A, %mul3A_1 : i32
    "tpu.region"() ({
      %run_scoped3A = tpu.sem_alloc : memref<!tpu.dma_semaphore, #tpu.memory_space<semaphore_mem>>
      %dma_start3A_37 = arith.constant 0 : i32
      %dma_start3A_38 = arith.constant 0 : i32
      %dma_start3A_39 = tpu.memref_slice %arg2[%add3A, %dma_start3A_37, %dma_start3A_38] : memref<32x200x128xi32, #tpu.memory_space<hbm>> -> memref<1x200x128xi32, #tpu.memory_space<hbm>>
      %dma_start3A_40 = tpu.memref_squeeze %dma_start3A_39 : memref<1x200x128xi32, #tpu.memory_space<hbm>> -> memref<200x128xi32, #tpu.memory_space<hbm>>
      %dma_start3A_41 = arith.constant 0 : i32
      %dma_start3A_42 = arith.constant 0 : i32
      %dma_start3A_43 = tpu.memref_slice %arg2[%add3A, %dma_start3A_41, %dma_start3A_42] : memref<32x200x128xi32, #tpu.memory_space<hbm>> -> memref<1x200x128xi32, #tpu.memory_space<hbm>>
      %dma_start3A_44 = tpu.memref_squeeze %dma_start3A_43 : memref<1x200x128xi32, #tpu.memory_space<hbm>> -> memref<200x128xi32, #tpu.memory_space<hbm>>
      tpu.enqueue_dma source(%dma_start3A_44 : memref<200x128xi32, #tpu.memory_space<hbm>>) target(%arg5 : memref<200x128xi32, #tpu.memory_space<vmem>>) target_semaphore(%run_scoped3A : memref<!tpu.dma_semaphore, #tpu.memory_space<semaphore_mem>>)
      %dma_wait3A_45 = arith.constant 0 : i32
      %dma_wait3A_46 = arith.constant 0 : i32
      %dma_wait3A_47 = tpu.memref_slice %arg2[%add3A, %dma_wait3A_45, %dma_wait3A_46] : memref<32x200x128xi32, #tpu.memory_space<hbm>> -> memref<1x200x128xi32, #tpu.memory_space<hbm>>
      %dma_wait3A_48 = tpu.memref_squeeze %dma_wait3A_47 : memref<1x200x128xi32, #tpu.memory_space<hbm>> -> memref<200x128xi32, #tpu.memory_space<hbm>>
      %dma_wait3A_49 = arith.constant 0 : i32
      %dma_wait3A_50 = arith.constant 0 : i32
      %dma_wait3A_51 = tpu.memref_slice %arg2[%add3A, %dma_wait3A_49, %dma_wait3A_50] : memref<32x200x128xi32, #tpu.memory_space<hbm>> -> memref<1x200x128xi32, #tpu.memory_space<hbm>>
      %dma_wait3A_52 = tpu.memref_squeeze %dma_wait3A_51 : memref<1x200x128xi32, #tpu.memory_space<hbm>> -> memref<200x128xi32, #tpu.memory_space<hbm>>
      tpu.wait_dma2 semaphore(%run_scoped3A : memref<!tpu.dma_semaphore, #tpu.memory_space<semaphore_mem>>) src(%dma_wait3A_52 : memref<200x128xi32, #tpu.memory_space<hbm>>) dst(%arg5 : memref<200x128xi32, #tpu.memory_space<vmem>>)
      tpu.yield
    }) : () -> ()
    %dma_start3A = arith.constant 0 : i32
    %dma_start3A_3 = arith.constant 0 : i32
    %dma_start3A_4 = arith.constant 0 : i32
    %dma_start3A_5 = tpu.memref_slice %arg6[%dma_start3A_3, %dma_start3A_4] : memref<512x128xf32, #tpu.memory_space<vmem>> -> memref<128x128xf32, #tpu.memory_space<vmem>>
    %dma_start3A_6 = arith.constant 0 : i32
    %dma_start3A_7 = tpu.memref_slice %arg5[%dma_start3A, %dma_start3A_6] : memref<200x128xi32, #tpu.memory_space<vmem>> -> memref<1x128xi32, #tpu.memory_space<vmem>>
    %dma_start3A_8 = tpu.memref_squeeze %dma_start3A_7 : memref<1x128xi32, #tpu.memory_space<vmem>> -> memref<128xi32, #tpu.memory_space<vmem>>
    %dma_start3A_9 = arith.constant 0 : i32
    %dma_start3A_10 = arith.constant 0 : i32
    %dma_start3A_11 = tpu.memref_slice %arg3[%dma_start3A_9, %dma_start3A_10] : memref<100000x128xf32, #tpu.memory_space<hbm>> -> memref<100000x128xf32, #tpu.memory_space<hbm>>
    tpu.enqueue_indirect_dma source(%dma_start3A_11 : memref<100000x128xf32, #tpu.memory_space<hbm>>) target(%dma_start3A_5 : memref<128x128xf32, #tpu.memory_space<vmem>>) offsets(%dma_start3A_8 : memref<128xi32, #tpu.memory_space<vmem>>) semaphore(%arg7 : memref<!tpu.dma_semaphore, #tpu.memory_space<semaphore_mem>>)
    %dma_start3A_12 = arith.constant 1 : i32
    %dma_start3A_13 = arith.constant 128 : i32
    %dma_start3A_14 = arith.constant 0 : i32
    %dma_start3A_15 = tpu.memref_slice %arg6[%dma_start3A_13, %dma_start3A_14] : memref<512x128xf32, #tpu.memory_space<vmem>> -> memref<128x128xf32, #tpu.memory_space<vmem>>
    %dma_start3A_16 = arith.constant 0 : i32
    %dma_start3A_17 = tpu.memref_slice %arg5[%dma_start3A_12, %dma_start3A_16] : memref<200x128xi32, #tpu.memory_space<vmem>> -> memref<1x128xi32, #tpu.memory_space<vmem>>
    %dma_start3A_18 = tpu.memref_squeeze %dma_start3A_17 : memref<1x128xi32, #tpu.memory_space<vmem>> -> memref<128xi32, #tpu.memory_space<vmem>>
    %dma_start3A_19 = arith.constant 0 : i32
    %dma_start3A_20 = arith.constant 0 : i32
    %dma_start3A_21 = tpu.memref_slice %arg3[%dma_start3A_19, %dma_start3A_20] : memref<100000x128xf32, #tpu.memory_space<hbm>> -> memref<100000x128xf32, #tpu.memory_space<hbm>>
    tpu.enqueue_indirect_dma source(%dma_start3A_21 : memref<100000x128xf32, #tpu.memory_space<hbm>>) target(%dma_start3A_15 : memref<128x128xf32, #tpu.memory_space<vmem>>) offsets(%dma_start3A_18 : memref<128xi32, #tpu.memory_space<vmem>>) semaphore(%arg8 : memref<!tpu.dma_semaphore, #tpu.memory_space<semaphore_mem>>)
    %scan3A = arith.constant 0 : i32
    %scan3A_22 = arith.constant 50 : i32
    %scan3A_23 = arith.addi %scan3A, %scan3A_22 : i32
    %scan3A_24 = arith.constant 1 : i32
    scf.for %scan3A_37 = %scan3A to %scan3A_23 step %scan3A_24  : i32 {
      %mul3A_38 = arith.constant 2 : i32
      %mul3A_39 = arith.muli %mul3A_38, %scan3A_37 : i32
      %add3A_40 = arith.constant 0 : i32
      %add3A_41 = arith.addi %mul3A_39, %add3A_40 : i32
      %ge3A = arith.constant 1 : i32
      %ge3A_42 = arith.cmpi sge, %add3A_41, %ge3A : i32
      %convert_element_type3A = arith.extui %ge3A_42 : i1 to i32
      %cond3A = arith.constant 0 : i32
      %cond3A_43 = arith.cmpi ne, %convert_element_type3A, %cond3A : i32
      scf.if %cond3A_43 {
        %sub3A = arith.constant 1 : i32
        %sub3A_142 = arith.subi %add3A_41, %sub3A : i32
        %mul3A_143 = arith.constant 256 : i32
        %mul3A_144 = arith.muli %sub3A_142, %mul3A_143 : i32
        %add3A_145 = arith.addi %mul3A_2, %mul3A_144 : i32
        %multiple_of3A_146 = tpu.assume_multiple %add3A_145, 256 : i32
        %dma_wait3A_147 = arith.constant 256 : i32
        %dma_wait3A_148 = arith.constant 0 : i32
        %dma_wait3A_149 = tpu.memref_slice %arg6[%dma_wait3A_147, %dma_wait3A_148] : memref<512x128xf32, #tpu.memory_space<vmem>> -> memref<256x128xf32, #tpu.memory_space<vmem>>
        %dma_wait3A_150 = arith.constant 0 : i32
        %dma_wait3A_151 = tpu.memref_slice %arg4[%multiple_of3A_146, %dma_wait3A_150] : memref<819200x128xf32, #tpu.memory_space<hbm>> -> memref<256x128xf32, #tpu.memory_space<hbm>>
        %dma_wait3A_152 = arith.constant 0 : i32
        %dma_wait3A_153 = tpu.memref_slice %arg4[%multiple_of3A_146, %dma_wait3A_152] : memref<819200x128xf32, #tpu.memory_space<hbm>> -> memref<256x128xf32, #tpu.memory_space<hbm>>
        %dma_wait3A_154 = arith.constant 256 : i32
        %dma_wait3A_155 = arith.constant 0 : i32
        %dma_wait3A_156 = tpu.memref_slice %arg6[%dma_wait3A_154, %dma_wait3A_155] : memref<512x128xf32, #tpu.memory_space<vmem>> -> memref<256x128xf32, #tpu.memory_space<vmem>>
        tpu.wait_dma2 semaphore(%arg12 : memref<!tpu.dma_semaphore, #tpu.memory_space<semaphore_mem>>) src(%dma_wait3A_156 : memref<256x128xf32, #tpu.memory_space<vmem>>) dst(%dma_wait3A_153 : memref<256x128xf32, #tpu.memory_space<hbm>>)
      } else {
      }
      %add3A_44 = arith.constant 1 : i32
      %add3A_45 = arith.addi %add3A_41, %add3A_44 : i32
      %lt3A = arith.constant 100 : i32
      %lt3A_46 = arith.cmpi slt, %add3A_45, %lt3A : i32
      %convert_element_type3A_47 = arith.extui %lt3A_46 : i1 to i32
      %cond3A_48 = arith.constant 0 : i32
      %cond3A_49 = arith.cmpi ne, %convert_element_type3A_47, %cond3A_48 : i32
      scf.if %cond3A_49 {
        %mul3A_142 = arith.constant 2 : i32
        %mul3A_143 = arith.muli %mul3A_142, %add3A_41 : i32
        %add3A_144 = arith.constant 2 : i32
        %add3A_145 = arith.addi %mul3A_143, %add3A_144 : i32
        %dma_start3A_146 = arith.constant 256 : i32
        %dma_start3A_147 = arith.constant 0 : i32
        %dma_start3A_148 = tpu.memref_slice %arg6[%dma_start3A_146, %dma_start3A_147] : memref<512x128xf32, #tpu.memory_space<vmem>> -> memref<128x128xf32, #tpu.memory_space<vmem>>
        %dma_start3A_149 = arith.constant 0 : i32
        %dma_start3A_150 = tpu.memref_slice %arg5[%add3A_145, %dma_start3A_149] : memref<200x128xi32, #tpu.memory_space<vmem>> -> memref<1x128xi32, #tpu.memory_space<vmem>>
        %dma_start3A_151 = tpu.memref_squeeze %dma_start3A_150 : memref<1x128xi32, #tpu.memory_space<vmem>> -> memref<128xi32, #tpu.memory_space<vmem>>
        %dma_start3A_152 = arith.constant 0 : i32
        %dma_start3A_153 = arith.constant 0 : i32
        %dma_start3A_154 = tpu.memref_slice %arg3[%dma_start3A_152, %dma_start3A_153] : memref<100000x128xf32, #tpu.memory_space<hbm>> -> memref<100000x128xf32, #tpu.memory_space<hbm>>
        tpu.enqueue_indirect_dma source(%dma_start3A_154 : memref<100000x128xf32, #tpu.memory_space<hbm>>) target(%dma_start3A_148 : memref<128x128xf32, #tpu.memory_space<vmem>>) offsets(%dma_start3A_151 : memref<128xi32, #tpu.memory_space<vmem>>) semaphore(%arg9 : memref<!tpu.dma_semaphore, #tpu.memory_space<semaphore_mem>>)
        %mul3A_155 = arith.constant 2 : i32
        %mul3A_156 = arith.muli %mul3A_155, %add3A_41 : i32
        %add3A_157 = arith.constant 3 : i32
        %add3A_158 = arith.addi %mul3A_156, %add3A_157 : i32
        %dma_start3A_159 = arith.constant 384 : i32
        %dma_start3A_160 = arith.constant 0 : i32
        %dma_start3A_161 = tpu.memref_slice %arg6[%dma_start3A_159, %dma_start3A_160] : memref<512x128xf32, #tpu.memory_space<vmem>> -> memref<128x128xf32, #tpu.memory_space<vmem>>
        %dma_start3A_162 = arith.constant 0 : i32
        %dma_start3A_163 = tpu.memref_slice %arg5[%add3A_158, %dma_start3A_162] : memref<200x128xi32, #tpu.memory_space<vmem>> -> memref<1x128xi32, #tpu.memory_space<vmem>>
        %dma_start3A_164 = tpu.memref_squeeze %dma_start3A_163 : memref<1x128xi32, #tpu.memory_space<vmem>> -> memref<128xi32, #tpu.memory_space<vmem>>
        %dma_start3A_165 = arith.constant 0 : i32
        %dma_start3A_166 = arith.constant 0 : i32
        %dma_start3A_167 = tpu.memref_slice %arg3[%dma_start3A_165, %dma_start3A_166] : memref<100000x128xf32, #tpu.memory_space<hbm>> -> memref<100000x128xf32, #tpu.memory_space<hbm>>
        tpu.enqueue_indirect_dma source(%dma_start3A_167 : memref<100000x128xf32, #tpu.memory_space<hbm>>) target(%dma_start3A_161 : memref<128x128xf32, #tpu.memory_space<vmem>>) offsets(%dma_start3A_164 : memref<128xi32, #tpu.memory_space<vmem>>) semaphore(%arg10 : memref<!tpu.dma_semaphore, #tpu.memory_space<semaphore_mem>>)
      } else {
      }
      %mul3A_50 = arith.constant 2 : i32
      %mul3A_51 = arith.muli %mul3A_50, %add3A_41 : i32
      %dma_wait3A_52 = arith.constant 0 : i32
      %dma_wait3A_53 = arith.constant 0 : i32
      %dma_wait3A_54 = tpu.memref_slice %arg6[%dma_wait3A_52, %dma_wait3A_53] : memref<512x128xf32, #tpu.memory_space<vmem>> -> memref<128x128xf32, #tpu.memory_space<vmem>>
      %dma_wait3A_55 = arith.constant 0 : i32
      %dma_wait3A_56 = tpu.memref_slice %arg5[%mul3A_51, %dma_wait3A_55] : memref<200x128xi32, #tpu.memory_space<vmem>> -> memref<1x128xi32, #tpu.memory_space<vmem>>
      %dma_wait3A_57 = tpu.memref_squeeze %dma_wait3A_56 : memref<1x128xi32, #tpu.memory_space<vmem>> -> memref<128xi32, #tpu.memory_space<vmem>>
      %dma_wait3A_58 = arith.constant 0 : i32
      %dma_wait3A_59 = arith.constant 0 : i32
      %dma_wait3A_60 = tpu.memref_slice %arg3[%dma_wait3A_58, %dma_wait3A_59] : memref<100000x128xf32, #tpu.memory_space<hbm>> -> memref<100000x128xf32, #tpu.memory_space<hbm>>
      tpu.wait_indirect_dma semaphore(%arg7 : memref<!tpu.dma_semaphore, #tpu.memory_space<semaphore_mem>>) src(%dma_wait3A_60 : memref<100000x128xf32, #tpu.memory_space<hbm>>) dst(%dma_wait3A_54 : memref<128x128xf32, #tpu.memory_space<vmem>>)
      %mul3A_61 = arith.constant 2 : i32
      %mul3A_62 = arith.muli %mul3A_61, %add3A_41 : i32
      %add3A_63 = arith.constant 1 : i32
      %add3A_64 = arith.addi %mul3A_62, %add3A_63 : i32
      %dma_wait3A_65 = arith.constant 128 : i32
      %dma_wait3A_66 = arith.constant 0 : i32
      %dma_wait3A_67 = tpu.memref_slice %arg6[%dma_wait3A_65, %dma_wait3A_66] : memref<512x128xf32, #tpu.memory_space<vmem>> -> memref<128x128xf32, #tpu.memory_space<vmem>>
      %dma_wait3A_68 = arith.constant 0 : i32
      %dma_wait3A_69 = tpu.memref_slice %arg5[%add3A_64, %dma_wait3A_68] : memref<200x128xi32, #tpu.memory_space<vmem>> -> memref<1x128xi32, #tpu.memory_space<vmem>>
      %dma_wait3A_70 = tpu.memref_squeeze %dma_wait3A_69 : memref<1x128xi32, #tpu.memory_space<vmem>> -> memref<128xi32, #tpu.memory_space<vmem>>
      %dma_wait3A_71 = arith.constant 0 : i32
      %dma_wait3A_72 = arith.constant 0 : i32
      %dma_wait3A_73 = tpu.memref_slice %arg3[%dma_wait3A_71, %dma_wait3A_72] : memref<100000x128xf32, #tpu.memory_space<hbm>> -> memref<100000x128xf32, #tpu.memory_space<hbm>>
      tpu.wait_indirect_dma semaphore(%arg8 : memref<!tpu.dma_semaphore, #tpu.memory_space<semaphore_mem>>) src(%dma_wait3A_73 : memref<100000x128xf32, #tpu.memory_space<hbm>>) dst(%dma_wait3A_67 : memref<128x128xf32, #tpu.memory_space<vmem>>)
      %mul3A_74 = arith.constant 256 : i32
      %mul3A_75 = arith.muli %add3A_41, %mul3A_74 : i32
      %add3A_76 = arith.addi %mul3A_2, %mul3A_75 : i32
      %multiple_of3A_77 = tpu.assume_multiple %add3A_76, 256 : i32
      %dma_start3A_78 = arith.constant 0 : i32
      %dma_start3A_79 = arith.constant 0 : i32
      %dma_start3A_80 = tpu.memref_slice %arg6[%dma_start3A_78, %dma_start3A_79] : memref<512x128xf32, #tpu.memory_space<vmem>> -> memref<256x128xf32, #tpu.memory_space<vmem>>
      %dma_start3A_81 = arith.constant 0 : i32
      %dma_start3A_82 = tpu.memref_slice %arg4[%multiple_of3A_77, %dma_start3A_81] : memref<819200x128xf32, #tpu.memory_space<hbm>> -> memref<256x128xf32, #tpu.memory_space<hbm>>
      %dma_start3A_83 = arith.constant 0 : i32
      %dma_start3A_84 = tpu.memref_slice %arg4[%multiple_of3A_77, %dma_start3A_83] : memref<819200x128xf32, #tpu.memory_space<hbm>> -> memref<256x128xf32, #tpu.memory_space<hbm>>
      %dma_start3A_85 = arith.constant 0 : i32
      %dma_start3A_86 = arith.constant 0 : i32
      %dma_start3A_87 = tpu.memref_slice %arg6[%dma_start3A_85, %dma_start3A_86] : memref<512x128xf32, #tpu.memory_space<vmem>> -> memref<256x128xf32, #tpu.memory_space<vmem>>
      tpu.enqueue_dma source(%dma_start3A_87 : memref<256x128xf32, #tpu.memory_space<vmem>>) target(%dma_start3A_84 : memref<256x128xf32, #tpu.memory_space<hbm>>) target_semaphore(%arg11 : memref<!tpu.dma_semaphore, #tpu.memory_space<semaphore_mem>>)
      %mul3A_88 = arith.constant 2 : i32
      %mul3A_89 = arith.muli %mul3A_88, %scan3A_37 : i32
      %add3A_90 = arith.constant 1 : i32
      %add3A_91 = arith.addi %mul3A_89, %add3A_90 : i32
      %ge3A_92 = arith.constant 1 : i32
      %ge3A_93 = arith.cmpi sge, %add3A_91, %ge3A_92 : i32
      %convert_element_type3A_94 = arith.extui %ge3A_93 : i1 to i32
      %cond3A_95 = arith.constant 0 : i32
      %cond3A_96 = arith.cmpi ne, %convert_element_type3A_94, %cond3A_95 : i32
      scf.if %cond3A_96 {
        %sub3A = arith.constant 1 : i32
        %sub3A_142 = arith.subi %add3A_91, %sub3A : i32
        %mul3A_143 = arith.constant 256 : i32
        %mul3A_144 = arith.muli %sub3A_142, %mul3A_143 : i32
        %add3A_145 = arith.addi %mul3A_2, %mul3A_144 : i32
        %multiple_of3A_146 = tpu.assume_multiple %add3A_145, 256 : i32
        %dma_wait3A_147 = arith.constant 0 : i32
        %dma_wait3A_148 = arith.constant 0 : i32
        %dma_wait3A_149 = tpu.memref_slice %arg6[%dma_wait3A_147, %dma_wait3A_148] : memref<512x128xf32, #tpu.memory_space<vmem>> -> memref<256x128xf32, #tpu.memory_space<vmem>>
        %dma_wait3A_150 = arith.constant 0 : i32
        %dma_wait3A_151 = tpu.memref_slice %arg4[%multiple_of3A_146, %dma_wait3A_150] : memref<819200x128xf32, #tpu.memory_space<hbm>> -> memref<256x128xf32, #tpu.memory_space<hbm>>
        %dma_wait3A_152 = arith.constant 0 : i32
        %dma_wait3A_153 = tpu.memref_slice %arg4[%multiple_of3A_146, %dma_wait3A_152] : memref<819200x128xf32, #tpu.memory_space<hbm>> -> memref<256x128xf32, #tpu.memory_space<hbm>>
        %dma_wait3A_154 = arith.constant 0 : i32
        %dma_wait3A_155 = arith.constant 0 : i32
        %dma_wait3A_156 = tpu.memref_slice %arg6[%dma_wait3A_154, %dma_wait3A_155] : memref<512x128xf32, #tpu.memory_space<vmem>> -> memref<256x128xf32, #tpu.memory_space<vmem>>
        tpu.wait_dma2 semaphore(%arg11 : memref<!tpu.dma_semaphore, #tpu.memory_space<semaphore_mem>>) src(%dma_wait3A_156 : memref<256x128xf32, #tpu.memory_space<vmem>>) dst(%dma_wait3A_153 : memref<256x128xf32, #tpu.memory_space<hbm>>)
      } else {
      }
      %add3A_97 = arith.constant 1 : i32
      %add3A_98 = arith.addi %add3A_91, %add3A_97 : i32
      %lt3A_99 = arith.constant 100 : i32
      %lt3A_100 = arith.cmpi slt, %add3A_98, %lt3A_99 : i32
      %convert_element_type3A_101 = arith.extui %lt3A_100 : i1 to i32
      %cond3A_102 = arith.constant 0 : i32
      %cond3A_103 = arith.cmpi ne, %convert_element_type3A_101, %cond3A_102 : i32
      scf.if %cond3A_103 {
        %mul3A_142 = arith.constant 2 : i32
        %mul3A_143 = arith.muli %mul3A_142, %add3A_91 : i32
        %add3A_144 = arith.constant 2 : i32
        %add3A_145 = arith.addi %mul3A_143, %add3A_144 : i32
        %dma_start3A_146 = arith.constant 0 : i32
        %dma_start3A_147 = arith.constant 0 : i32
        %dma_start3A_148 = tpu.memref_slice %arg6[%dma_start3A_146, %dma_start3A_147] : memref<512x128xf32, #tpu.memory_space<vmem>> -> memref<128x128xf32, #tpu.memory_space<vmem>>
        %dma_start3A_149 = arith.constant 0 : i32
        %dma_start3A_150 = tpu.memref_slice %arg5[%add3A_145, %dma_start3A_149] : memref<200x128xi32, #tpu.memory_space<vmem>> -> memref<1x128xi32, #tpu.memory_space<vmem>>
        %dma_start3A_151 = tpu.memref_squeeze %dma_start3A_150 : memref<1x128xi32, #tpu.memory_space<vmem>> -> memref<128xi32, #tpu.memory_space<vmem>>
        %dma_start3A_152 = arith.constant 0 : i32
        %dma_start3A_153 = arith.constant 0 : i32
        %dma_start3A_154 = tpu.memref_slice %arg3[%dma_start3A_152, %dma_start3A_153] : memref<100000x128xf32, #tpu.memory_space<hbm>> -> memref<100000x128xf32, #tpu.memory_space<hbm>>
        tpu.enqueue_indirect_dma source(%dma_start3A_154 : memref<100000x128xf32, #tpu.memory_space<hbm>>) target(%dma_start3A_148 : memref<128x128xf32, #tpu.memory_space<vmem>>) offsets(%dma_start3A_151 : memref<128xi32, #tpu.memory_space<vmem>>) semaphore(%arg7 : memref<!tpu.dma_semaphore, #tpu.memory_space<semaphore_mem>>)
        %mul3A_155 = arith.constant 2 : i32
        %mul3A_156 = arith.muli %mul3A_155, %add3A_91 : i32
        %add3A_157 = arith.constant 3 : i32
        %add3A_158 = arith.addi %mul3A_156, %add3A_157 : i32
        %dma_start3A_159 = arith.constant 128 : i32
        %dma_start3A_160 = arith.constant 0 : i32
        %dma_start3A_161 = tpu.memref_slice %arg6[%dma_start3A_159, %dma_start3A_160] : memref<512x128xf32, #tpu.memory_space<vmem>> -> memref<128x128xf32, #tpu.memory_space<vmem>>
        %dma_start3A_162 = arith.constant 0 : i32
        %dma_start3A_163 = tpu.memref_slice %arg5[%add3A_158, %dma_start3A_162] : memref<200x128xi32, #tpu.memory_space<vmem>> -> memref<1x128xi32, #tpu.memory_space<vmem>>
        %dma_start3A_164 = tpu.memref_squeeze %dma_start3A_163 : memref<1x128xi32, #tpu.memory_space<vmem>> -> memref<128xi32, #tpu.memory_space<vmem>>
        %dma_start3A_165 = arith.constant 0 : i32
        %dma_start3A_166 = arith.constant 0 : i32
        %dma_start3A_167 = tpu.memref_slice %arg3[%dma_start3A_165, %dma_start3A_166] : memref<100000x128xf32, #tpu.memory_space<hbm>> -> memref<100000x128xf32, #tpu.memory_space<hbm>>
        tpu.enqueue_indirect_dma source(%dma_start3A_167 : memref<100000x128xf32, #tpu.memory_space<hbm>>) target(%dma_start3A_161 : memref<128x128xf32, #tpu.memory_space<vmem>>) offsets(%dma_start3A_164 : memref<128xi32, #tpu.memory_space<vmem>>) semaphore(%arg8 : memref<!tpu.dma_semaphore, #tpu.memory_space<semaphore_mem>>)
      } else {
      }
      %mul3A_104 = arith.constant 2 : i32
      %mul3A_105 = arith.muli %mul3A_104, %add3A_91 : i32
      %dma_wait3A_106 = arith.constant 256 : i32
      %dma_wait3A_107 = arith.constant 0 : i32
      %dma_wait3A_108 = tpu.memref_slice %arg6[%dma_wait3A_106, %dma_wait3A_107] : memref<512x128xf32, #tpu.memory_space<vmem>> -> memref<128x128xf32, #tpu.memory_space<vmem>>
      %dma_wait3A_109 = arith.constant 0 : i32
      %dma_wait3A_110 = tpu.memref_slice %arg5[%mul3A_105, %dma_wait3A_109] : memref<200x128xi32, #tpu.memory_space<vmem>> -> memref<1x128xi32, #tpu.memory_space<vmem>>
      %dma_wait3A_111 = tpu.memref_squeeze %dma_wait3A_110 : memref<1x128xi32, #tpu.memory_space<vmem>> -> memref<128xi32, #tpu.memory_space<vmem>>
      %dma_wait3A_112 = arith.constant 0 : i32
      %dma_wait3A_113 = arith.constant 0 : i32
      %dma_wait3A_114 = tpu.memref_slice %arg3[%dma_wait3A_112, %dma_wait3A_113] : memref<100000x128xf32, #tpu.memory_space<hbm>> -> memref<100000x128xf32, #tpu.memory_space<hbm>>
      tpu.wait_indirect_dma semaphore(%arg9 : memref<!tpu.dma_semaphore, #tpu.memory_space<semaphore_mem>>) src(%dma_wait3A_114 : memref<100000x128xf32, #tpu.memory_space<hbm>>) dst(%dma_wait3A_108 : memref<128x128xf32, #tpu.memory_space<vmem>>)
      %mul3A_115 = arith.constant 2 : i32
      %mul3A_116 = arith.muli %mul3A_115, %add3A_91 : i32
      %add3A_117 = arith.constant 1 : i32
      %add3A_118 = arith.addi %mul3A_116, %add3A_117 : i32
      %dma_wait3A_119 = arith.constant 384 : i32
      %dma_wait3A_120 = arith.constant 0 : i32
      %dma_wait3A_121 = tpu.memref_slice %arg6[%dma_wait3A_119, %dma_wait3A_120] : memref<512x128xf32, #tpu.memory_space<vmem>> -> memref<128x128xf32, #tpu.memory_space<vmem>>
      %dma_wait3A_122 = arith.constant 0 : i32
      %dma_wait3A_123 = tpu.memref_slice %arg5[%add3A_118, %dma_wait3A_122] : memref<200x128xi32, #tpu.memory_space<vmem>> -> memref<1x128xi32, #tpu.memory_space<vmem>>
      %dma_wait3A_124 = tpu.memref_squeeze %dma_wait3A_123 : memref<1x128xi32, #tpu.memory_space<vmem>> -> memref<128xi32, #tpu.memory_space<vmem>>
      %dma_wait3A_125 = arith.constant 0 : i32
      %dma_wait3A_126 = arith.constant 0 : i32
      %dma_wait3A_127 = tpu.memref_slice %arg3[%dma_wait3A_125, %dma_wait3A_126] : memref<100000x128xf32, #tpu.memory_space<hbm>> -> memref<100000x128xf32, #tpu.memory_space<hbm>>
      tpu.wait_indirect_dma semaphore(%arg10 : memref<!tpu.dma_semaphore, #tpu.memory_space<semaphore_mem>>) src(%dma_wait3A_127 : memref<100000x128xf32, #tpu.memory_space<hbm>>) dst(%dma_wait3A_121 : memref<128x128xf32, #tpu.memory_space<vmem>>)
      %mul3A_128 = arith.constant 256 : i32
      %mul3A_129 = arith.muli %add3A_91, %mul3A_128 : i32
      %add3A_130 = arith.addi %mul3A_2, %mul3A_129 : i32
      %multiple_of3A_131 = tpu.assume_multiple %add3A_130, 256 : i32
      %dma_start3A_132 = arith.constant 256 : i32
      %dma_start3A_133 = arith.constant 0 : i32
      %dma_start3A_134 = tpu.memref_slice %arg6[%dma_start3A_132, %dma_start3A_133] : memref<512x128xf32, #tpu.memory_space<vmem>> -> memref<256x128xf32, #tpu.memory_space<vmem>>
      %dma_start3A_135 = arith.constant 0 : i32
      %dma_start3A_136 = tpu.memref_slice %arg4[%multiple_of3A_131, %dma_start3A_135] : memref<819200x128xf32, #tpu.memory_space<hbm>> -> memref<256x128xf32, #tpu.memory_space<hbm>>
      %dma_start3A_137 = arith.constant 0 : i32
      %dma_start3A_138 = tpu.memref_slice %arg4[%multiple_of3A_131, %dma_start3A_137] : memref<819200x128xf32, #tpu.memory_space<hbm>> -> memref<256x128xf32, #tpu.memory_space<hbm>>
      %dma_start3A_139 = arith.constant 256 : i32
      %dma_start3A_140 = arith.constant 0 : i32
      %dma_start3A_141 = tpu.memref_slice %arg6[%dma_start3A_139, %dma_start3A_140] : memref<512x128xf32, #tpu.memory_space<vmem>> -> memref<256x128xf32, #tpu.memory_space<vmem>>
      tpu.enqueue_dma source(%dma_start3A_141 : memref<256x128xf32, #tpu.memory_space<vmem>>) target(%dma_start3A_138 : memref<256x128xf32, #tpu.memory_space<hbm>>) target_semaphore(%arg12 : memref<!tpu.dma_semaphore, #tpu.memory_space<semaphore_mem>>)
    }
    %scan3A_25 = arith.constant 50 : i32
    %add3A_26 = arith.constant 25344 : i32
    %add3A_27 = arith.addi %mul3A_2, %add3A_26 : i32
    %multiple_of3A = tpu.assume_multiple %add3A_27, 256 : i32
    %dma_wait3A = arith.constant 256 : i32
    %dma_wait3A_28 = arith.constant 0 : i32
    %dma_wait3A_29 = tpu.memref_slice %arg6[%dma_wait3A, %dma_wait3A_28] : memref<512x128xf32, #tpu.memory_space<vmem>> -> memref<256x128xf32, #tpu.memory_space<vmem>>
    %dma_wait3A_30 = arith.constant 0 : i32
    %dma_wait3A_31 = tpu.memref_slice %arg4[%multiple_of3A, %dma_wait3A_30] : memref<819200x128xf32, #tpu.memory_space<hbm>> -> memref<256x128xf32, #tpu.memory_space<hbm>>
    %dma_wait3A_32 = arith.constant 0 : i32
    %dma_wait3A_33 = tpu.memref_slice %arg4[%multiple_of3A, %dma_wait3A_32] : memref<819200x128xf32, #tpu.memory_space<hbm>> -> memref<256x128xf32, #tpu.memory_space<hbm>>
    %dma_wait3A_34 = arith.constant 256 : i32
    %dma_wait3A_35 = arith.constant 0 : i32
    %dma_wait3A_36 = tpu.memref_slice %arg6[%dma_wait3A_34, %dma_wait3A_35] : memref<512x128xf32, #tpu.memory_space<vmem>> -> memref<256x128xf32, #tpu.memory_space<vmem>>
    tpu.wait_dma2 semaphore(%arg12 : memref<!tpu.dma_semaphore, #tpu.memory_space<semaphore_mem>>) src(%dma_wait3A_36 : memref<256x128xf32, #tpu.memory_space<vmem>>) dst(%dma_wait3A_33 : memref<256x128xf32, #tpu.memory_space<hbm>>)
    return
  }
}

</mosaic_0001>

<sc_bundles>
// kernel: kernel.3.cloned.1.call-start
scs
__scs_entry_jumppad:
0x0: {  	(pc) =	sbr.rel $0x88, $3  }
0x1: {  	(tag) =	ssettag $0x0;
	lr =	simm.s32 $0x1  }
0x2: {  	[smem:$0x3F9F] =	sst lr;
	_ =	strace $0xD0000000  }
0x3: {  	_ = 	snop  }
0x4: {  	_ = 	snop  }
0x5: {  	_ = 	snop  }
0x6: {  	_ = 	snop  }
0x7: {  	_ = 	snop  }
__scs_overlays_trampoline_lowered:
0x8: {  	[smem:$0x3FAE] =	sst s0  }
0x9: {  	[smem:$0x3FAF] =	sst s1  }
0xa: {  	[smem:$0x3FB0] =	sst s2  }
0xb: {  	[smem:$0x3FB1] =	sst s3  }
0xc: {  	[smem:$0x3FB2] =	sst s4  }
0xd: {  	[smem:$0x3FB3] =	sst s5  }
0xe: {  	[smem:$0x3FB4] =	sst s6  }
0xf: {  	[smem:$0x3FB5] =	sst s7  }
0x10: {  	[smem:$0x3FB6] =	sst s8  }
0x11: {  	[smem:$0x3FB7] =	sst s9;
	s0 =	simm.s32 @!p0 $0x0  }
0x12: {  	s1 =	sld [smem:$0x3F9D];
	s0 =	simm.s32 @p0 $0x1  }
0x13: {  	[smem:$0x3FB8] =	sst s0;
	s0 =	simm.s32 @!p1 $0x0  }
0x14: {  	s2 =	sld [smem:$0x3F9C];
	s0 =	simm.s32 @p1 $0x1  }
0x15: {  	[smem:$0x3FB9] =	sst s0;
	s0 =	simm.s32 @!p2 $0x0  }
0x16: {  	s3 =	sld [smem:$0x3FDB];
	s0 =	simm.s32 @p2 $0x1  }
0x17: {  	s4 =	simm.s32 $0x1BF5;
	[smem:$0x3FBB] =	sst s0  }
0x18: {  	s0 =	sld [smem:$0x3F9E];
	_ =	swait.ge [sflag:s4], $0x0  }
0x19: {  	s7 =	sld [smem:$0x3F9F]  }
0x1a: {  	s8 =	sadd.s32 $0xFFFFE003, lr  }
0x1b: {  	s9 =	sadd.s32 $0xFFFFFEF7, lr;
	s5 =	simm.s32 $0xFFFFFFFF;
	p2 =	slt.u32 s8, $0xFFFFF086  }
0x1c: {  	p1 =	slt.u32 s9, $0xF7A;
	s5 =	simm.s32 @!p2 $0x0  }
0x1d: {  	s5 =	simm.s32 @p1 $0x1;
	p0 =	seq.s32 s7, s2  }
0x1e: {  	s7 =	smul.u32 @!p0 $0xF7A, s2;
	p2 =	seq.s32 @!p0 s5, $0x0  }
0x1f: {  	s9 =	smul.u32 $0xF7A, s1;
	s8 =	simm.s32 @!p0 $0x1BF5;
	p2 =	por !p2, p0  }
0x20: {  	[sflag:s8] =	ssyncset.s32 @!p0 $0xFFFFF086;
	s6 =	sadd.s32 @!p0 s3, s7;
	s7 =	simm.s32 @!p0 $0x108  }
0x21: {  	s3 =	sadd.s32 s3, s9;
	s6 =	sadd.s32 @!p0 $0x88, s6;
	s7 =	simm.s32 @p2 $0x1082  }
0x22: {  	[simem:s7], [sflag:s8] =	dma.local @!p0 [hbm:s6], $0xF7A  }
0x23: {  	s9 =	sor.u32 $0xD0000000, s2;
	s6 =	simm.s32 $0x108;
	_ =	swait.ge @!p0 [sflag:s8], $0x0  }
0x24: {  	s3 =	sadd.s32 $0x88, s3;
	s6 =	simm.s32 @!p1 $0x1082;
	[sflag:s4] =	ssyncset.s32 $0xFFFFF086  }
0x25: {  	[simem:s6], [sflag:s4] =	dma.local [hbm:s3], $0xF7A  }
0x26: {  	[smem:$0x3F9F] =	sst s1;
	(tag) =	ssettag s2;
	_ =	strace s9  }
0x27: {  	s1 =	sld [smem:$0x3FAF]  }
0x28: {  	s2 =	sld [smem:$0x3FB0]  }
0x29: {  	s4 =	sld [smem:$0x3FB2]  }
0x2a: {  	p0 =	seq.s32 s5, $0x0;
	s5 =	sld [smem:$0x3FB3]  }
0x2b: {  	s6 =	sld [smem:$0x3FB4]  }
0x2c: {  	s7 =	sld [smem:$0x3FB5]  }
0x2d: {  	s3 =	simm.s32 $0x108;
	s8 =	sld [smem:$0x3FB6]  }
0x2e: {  	s3 =	simm.s32 @!p0 $0x1082;
	s9 =	sld [smem:$0x3FB7]  }
0x2f: {  	lr =	sadd.s32 s0, s3;
	s0 =	sld [smem:$0x3FAE]  }
0x30: {  	s3 =	sld [smem:$0x3FB1]  }
0x31: {  	[smem:$0x3FBA] =	sst s10  }
0x32: {  	s10 =	sld [smem:$0x3FB8];
	_ =	sdelay $0x3  }
0x33: {  	p0 =	seq.s32 s10, $0x1;
	s10 =	sld [smem:$0x3FBA];
	_ =	sdelay $0x3  }
0x34: {  	[smem:$0x3FBA] =	sst s10  }
0x35: {  	s10 =	sld [smem:$0x3FB9];
	_ =	sdelay $0x3  }
0x36: {  	p1 =	seq.s32 s10, $0x1;
	s10 =	sld [smem:$0x3FBA];
	_ =	sdelay $0x3  }
0x37: {  	[smem:$0x3FBA] =	sst s10  }
0x38: {  	s10 =	sld [smem:$0x3FBB]  }
0x39: {  	_ = 	snop;
	(pc) =	sbr.ind lr, $3  }
0x3a: {  	_ = 	snop  }
0x3b: {  	_ = 	snop  }
0x3c: {  	p2 =	seq.s32 s10, $0x1;
	s10 =	sld [smem:$0x3FBA]  }
0x3d: {  	_ =	shalt  }
0x3e: {  	_ =	shalt  }
0x3f: {  	_ =	shalt  }
0x40: {  	_ =	shalt  }
0x41: {  	_ =	shalt  }
0x42: {  	_ =	shalt  }
0x43: {  	_ =	shalt  }
0x44: {  	_ =	shalt  }
0x45: {  	_ =	shalt  }
0x46: {  	_ =	shalt  }
0x47: {  	_ =	shalt  }
0x48: {  	_ =	shalt  }
0x49: {  	_ =	shalt  }
0x4a: {  	_ =	shalt  }
0x4b: {  	_ =	shalt  }
0x4c: {  	_ =	shalt  }
0x4d: {  	_ =	shalt  }
0x4e: {  	_ =	shalt  }
0x4f: {  	_ =	shalt  }
0x50: {  	_ =	shalt  }
0x51: {  	_ =	shalt  }
0x52: {  	_ =	shalt  }
0x53: {  	_ =	shalt  }
0x54: {  	_ =	shalt  }
0x55: {  	_ =	shalt  }
0x56: {  	_ =	shalt  }
0x57: {  	_ =	shalt  }
0x58: {  	_ =	shalt  }
0x59: {  	_ =	shalt  }
0x5a: {  	_ =	shalt  }
0x5b: {  	_ =	shalt  }
0x5c: {  	_ =	shalt  }
0x5d: {  	_ =	shalt  }
0x5e: {  	_ =	shalt  }
0x5f: {  	_ =	shalt  }
0x60: {  	_ =	shalt  }
0x61: {  	_ =	shalt  }
0x62: {  	_ =	shalt  }
0x63: {  	_ =	shalt  }
0x64: {  	_ =	shalt  }
0x65: {  	_ =	shalt  }
0x66: {  	_ =	shalt  }
0x67: {  	_ =	shalt  }
0x68: {  	_ =	shalt  }
0x69: {  	_ =	shalt  }
0x6a: {  	_ =	shalt  }
0x6b: {  	_ =	shalt  }
0x6c: {  	_ =	shalt  }
0x6d: {  	_ =	shalt  }
0x6e: {  	_ =	shalt  }
0x6f: {  	_ =	shalt  }
0x70: {  	_ =	shalt  }
0x71: {  	_ =	shalt  }
0x72: {  	_ =	shalt  }
0x73: {  	_ =	shalt  }
0x74: {  	_ =	shalt  }
0x75: {  	_ =	shalt  }
0x76: {  	_ =	shalt  }
0x77: {  	_ =	shalt  }
0x78: {  	_ =	shalt  }
0x79: {  	_ =	shalt  }
0x7a: {  	_ =	shalt  }
0x7b: {  	_ =	shalt  }
0x7c: {  	_ =	shalt  }
0x7d: {  	_ =	shalt  }
0x7e: {  	_ =	shalt  }
0x7f: {  	_ =	shalt  }
0x80: {  	_ =	shalt  }
0x81: {  	_ =	shalt  }
0x82: {  	_ =	shalt  }
0x83: {  	_ =	shalt  }
0x84: {  	_ =	shalt  }
0x85: {  	_ =	shalt  }
0x86: {  	_ =	shalt  }
0x87: {  	_ =	shalt  }
.Lfunc_end0:
.L_simem_size_0:
called_computation_lowered:
.L_overlay_start_0:
0x88: {  	s2 =	sld [smem:$0x3FD9]  }
0x89: {  	s3 =	sld [smem:$0x3FFE];
	_ =	sdelay $0x1  }
0x8a: {  	s1 =	srdreg.scid  }
0x8b: {  	s0 =	sand.u32 $0x1, s1  }
0x8c: {  	s17 =	sshll.u32 s0, $0xA;
	s2 =	sadd.s32 s3, s2  }
0x8d: {  	s2 =	sadd.s32 s2, s17  }
0x8e: {  	[smem:$0x3FC6] =	sst s2  }
0x8f: {  	_ = 	snop  }
0x90: {  	s2 =	sld [smem:$0x3FC8]  }
0x91: {  	s18 =	sld [smem:$0x3FD0];
	(tm) =	ssettm $0x1  }
0x92: {  	s4 =	sld [smem:$0x3FFB];
	_ =	sdelay $0x3  }
0x93: {  	_ =	strace s4  }
0x94: {  	s4 =	sld [smem:$0x3FFC];
	_ =	sdelay $0x3  }
0x95: {  	_ =	strace s4  }
0x96: {  	s4 =	sld [smem:$0x3FFD];
	_ =	sdelay $0x3  }
0x97: {  	_ =	strace s4  }
0x98: {  	_ =	strace $0x8FFFFFFF  }
0x99: {  	s19 =	sld [smem:$0x3FDB];
	_ =	sdelay $0x1  }
0x9a: {  	s5 =	simm.s32 $_scs_section_size  }
0x9b: {  	s6 =	simm.s32 $_size__tile_overlayer_lowered;
	s7 =	simm.s32 $_tile_overlayer_lowered  }
0x9c: {  	s22 =	simm.s32 $0x1BFF;
	s21 =	sshll.u32 s7, $0x1;
	s4 =	sadd.s32 s5, s19  }
0x9d: {  	s8 =	simm.s32 $0x0;
	s20 =	sshll.u32 s6, $0x1;
	s6 =	sadd.s32 s21, s4  }
0x9e: {  	[timem:s8], [sflag:s22] =	dma.local [hbm:s6], s20  }
0x9f: {  	_ =	swait.ge [sflag:s22], s20  }
0xa0: {  	s5 =	ssub.s32 $0x0, s20;
	[sflag:s22] =	ssyncset.done $0x0  }
0xa1: {  	[sflag:s22] =	ssyncadd.s32 s5;
	_ =	sdelay $0x1  }
0xa2: {  	s23 =	simm.s32 $0x1B8B  }
0xa3: {  	_ =	swait.ge [sflag:s23], $0x1  }
0xa4: {  	[sflag:s23] =	ssyncset.done $0x0  }
0xa5: {  	s25 =	simm.s32 $0x1B8E;
	s24 =	sld [smem:$0x3FFE];
	[sflag:s23] =	ssyncadd.s32 $0xFFFFFFFF  }
0xa6: {  	s26 =	simm.s32 $execute0_lowered;
	[smem:$0x3FD2] =	sst s25  }
0xa7: {  	s6 =	sshll.u32 s26, $0x1;
	_ =	strace $0x80000046;
	[dreg:$0x1] =	wrdreg $0xFFFFFFFF  }
0xa8: {  	s28 =	simm.s32 $_size_execute0_lowered;
	s4 =	sadd.s32 s4, s6;
	[dreg:$0x0] =	wrdreg $0x0  }
0xa9: {  	s6 =	sshll.u32 s28, $0x1;
	[dreg:$0x2] =	wrdreg s4  }
0xaa: {  	[dreg:$0x3] =	wrdreg s6  }
0xab: {  	[dreg:$0x4] =	wrdreg $0xC0  }
0xac: {  	_ =	task [dreg:s8], $0x5FFFF  }
0xad: {  	[dreg:$0x1] =	wrdreg $0xFFFFFFFF  }
0xae: {  	[dreg:$0x0] =	wrdreg $0x60  }
0xaf: {  	[dreg:$0x2] =	wrdreg s24  }
0xb0: {  	[dreg:$0x3] =	wrdreg s2  }
0xb1: {  	[dreg:$0x4] =	wrdreg s18  }
0xb2: {  	[dreg:$0x5] =	wrdreg $0x9  }
0xb3: {  	_ =	task.clear_ibuf [dreg:s8], $0x6FFFF;
	_ =	strace $0x90000046  }
0xb4: {  	s29 =	simm.s32 $0x9;
	_ =	strace $0x80000048  }
0xb5: {  	_ =	swait.ge [sflag:s29], $0x1  }
0xb6: {  	[sflag:s29] =	ssyncadd.s32 $0xFFFFFFFF  }
0xb7: {  	_ =	strace $0x90000048  }
0xb8: {  	_ =	sfence  }
0xb9: {  	s30 =	sld [smem:$0x0];
	_ =	sdelay $0x2  }
0xba: {  	s31 =	sshll.u32 s1, $0xD;
	s1 =	sshrl.u32 s1, $0x2  }
0xbb: {  	s3 =	sand.u32 $0x4000, s31;
	s1 =	sadd.s32 s1, s30  }
0xbc: {  	s0 =	sor.u32 s3, s0;
	s1 =	sshll.u32 s1, $0x11  }
0xbd: {  	s0 =	sor.u32 s1, s0  }
0xbe: {  	s0 =	sadd.s32 $0x8F2B, s0  }
0xbf: {  	[sflag:s0] =	ssyncadd.remote.s32 $0x1  }
0xc0: {  	_ =	sfence.sel $0xFFFF  }
0xc1: {  	[dreg:$0x0] =	wrdreg $0xFFFFFFFF;
	(pc) =	sbr.abs _section_cstart, $3  }
0xc2: {  	[dreg:$0x1] =	wrdreg $0xFFFFFFFF  }
0xc3: {  	_ =	task.clear_ibuf [dreg:s8], $0x2FFFF;
	_ =	strace $0x9FFFFFFF  }
0xc4: {  	(tm) =	ssettm $0x7FFFFFFF  }
0xc5: {  	_ =	shalt  }
tec
execute0_lowered:
.L_overlay_start_1:
0x0: {  	(tag) =	ssettag $0x1  }
0x1: {  	s0 =	rddreg [dreg:$0x0]  }
0x2: {  	s2 =	rddreg [dreg:$0x1];
	s1 =	srdreg.scid  }
0x3: {  	s6 =	stileid.u32;
	s11 =	rddreg [dreg:$0x2];
	s3 =	simm.s32 $0x0  }
0x4: {  	s12 =	simm.s32 $0x7;
	s13 =	simm.s32 $0x80;
	s14 =	simm.s32 $0x6400  }
0x5: {  	s15 =	simm.s32 $0xA400;
	s17 =	simm.s32 $0xE400;
	s19 =	simm.s32 $0x12400  }
0x6: {  	s20 =	simm.s32 $0x1;
	s21 =	simm.s32 $0x2;
	s22 =	simm.s32 $0x5  }
0x7: {  	s28 =	simm.s32 $0x6;
	s29 =	simm.s32 $0x6300;
	s30 =	simm.s32 $0x6380  }
0x8: {  	s1 =	sand.u32 $0x1, s1;
	s4 =	sshll.u32 s6, $0x1;
	s8 =	smul.u32 $0x640000, s6  }
0x9: {  	s4 =	sor.u32 s1, s4;
	s24 =	ssub.s32 $0x2, s1;
	s1 =	smul.u32 $0x320000, s1  }
0xa: {  	s31 =	simm.s32 $0x0;
	[smem:$0x7FF] =	sst s3;
	s5 =	smul.u32 $0xC80, s4  }
0xb: {  	_ =	strace $0x80000047;
	s4 =	smul.u32 $0x320000, s4;
	s25 =	sshrl.u32 s24, $0x1  }
0xc: {  	s6 =	ssub.s32 s24, s25;
	s26 =	sadd.s32 s1, s8;
	s25 =	simm.s32 $0x3  }
0xd: {  	s0 =	sadd.s32 s5, s0;
	s7 =	sshrl.u32 s4, $0x3;
	s6 =	smax.u32 s6, $0x1  }
0xe: {  	s1 =	sor.u32 $0x10000, s26;
	s4 =	sadd.s32 $0x400, s0;
	s5 =	sadd.s32 s11, s7  }
0xf: {  	s0 =	sor.u32 $0x18000, s26;
	s1 =	sshrl.u32 s1, $0x3;
	s26 =	simm.s32 $0x4  }
0x10: {  	s7 =	sadd.s32 $0x1000, s5;
	s8 =	sadd.s32 $0x62000, s5;
	s0 =	sshrl.u32 s0, $0x3  }
0x11: {  	s9 =	sadd.s32 $0x63000, s5;
	s10 =	sadd.s32 s1, s11;
	s18 =	sadd.s32 s0, s11  }
.LBB2_1:
0x12: {  	[tilespmem:s3], [sflag:$0x7] =	stream.linear.gather [hbm4b:s4+s3], $0x6400, $0x38;
	[tilespmem:$0x16400] =	vst v63  }
0x13: {  	_ =	swait.ge [sflag:s12], $0x6400  }
0x14: {  	[sflag:s12] =	ssyncset.done $0x0  }
0x15: {  	[sflag:s12] =	ssyncadd.s32 $0xFFFF9C00  }
0x16: {  	[tilespmem:s14], [sflag:$0x1] =	stream.indirect.gather [hbm4b:s2+s13], $0x80, s3, s13, $0xb8;
	[tilespmem:$0x16400] =	vst v63  }
0x17: {  	_ = 	snop  }
0x18: {  	[tilespmem:s15], [sflag:$0x2] =	stream.indirect.gather [hbm4b:s2+s13], $0x80, s13, s13, $0xb8;
	[tilespmem:$0x16400] =	vst v63  }
0x19: {  	s0 =	simm.s32 $0x100  }
0x1a: {  	[tilespmem:s17], [sflag:$0x3] =	stream.indirect.gather [hbm4b:s2+s13], $0x80, s0, s13, $0xb8;
	[tilespmem:$0x16400] =	vst v63  }
0x1b: {  	s23 =	simm.s32 $0x180  }
0x1c: {  	[tilespmem:s19], [sflag:$0x4] =	stream.indirect.gather [hbm4b:s2+s13], $0x80, s23, s13, $0xb8;
	[tilespmem:$0x16400] =	vst v63  }
0x1d: {  	_ =	swait.ge [sflag:s20], $0x4000  }
0x1e: {  	[sflag:s20] =	ssyncset.done $0x0  }
0x1f: {  	[sflag:s20] =	ssyncadd.s32 $0xFFFFC000  }
0x20: {  	_ =	swait.ge [sflag:s21], $0x4000  }
0x21: {  	[sflag:s21] =	ssyncset.done $0x0  }
0x22: {  	[sflag:s21] =	ssyncadd.s32 $0xFFFFC000  }
0x23: {  	[hbm4b:s5+s3] =	stream.linear.scatter [tilespmem:s14], [sflag:$0x5], $0x8000, $0x38;
	[tilespmem:$0x16400] =	vst v63  }
0x24: {  	_ =	swait.ge [sflag:s22], $0x8000  }
0x25: {  	[sflag:s22] =	ssyncset.done $0x0  }
0x26: {  	s24 =	simm.s32 $0x200;
	[sflag:s22] =	ssyncadd.s32 $0xFFFF8000  }
0x27: {  	[tilespmem:s14], [sflag:$0x1] =	stream.indirect.gather [hbm4b:s2+s13], $0x80, s24, s13, $0xb8;
	[tilespmem:$0x16400] =	vst v63  }
0x28: {  	s1 =	simm.s32 $0x280  }
0x29: {  	[tilespmem:s15], [sflag:$0x2] =	stream.indirect.gather [hbm4b:s2+s13], $0x80, s1, s13, $0xb8;
	[tilespmem:$0x16400] =	vst v63  }
0x2a: {  	_ =	swait.ge [sflag:s25], $0x4000  }
0x2b: {  	[sflag:s25] =	ssyncset.done $0x0  }
0x2c: {  	[sflag:s25] =	ssyncadd.s32 $0xFFFFC000  }
0x2d: {  	_ =	swait.ge [sflag:s26], $0x4000  }
0x2e: {  	[sflag:s26] =	ssyncset.done $0x0  }
0x2f: {  	[sflag:s26] =	ssyncadd.s32 $0xFFFFC000  }
0x30: {  	[hbm4b:s7+s3] =	stream.linear.scatter [tilespmem:s17], [sflag:$0x6], $0x8000, $0x38;
	[tilespmem:$0x16400] =	vst v63  }
0x31: {  	_ =	swait.ge [sflag:s28], $0x8000  }
0x32: {  	[sflag:s28] =	ssyncset.done $0x0  }
0x33: {  	s11 =	simm.s32 $0x300;
	[sflag:s28] =	ssyncadd.s32 $0xFFFF8000  }
0x34: {  	[tilespmem:s17], [sflag:$0x3] =	stream.indirect.gather [hbm4b:s2+s13], $0x80, s11, s13, $0xb8;
	[tilespmem:$0x16400] =	vst v63  }
0x35: {  	s16 =	simm.s32 $0x380  }
0x36: {  	[tilespmem:s19], [sflag:$0x4] =	stream.indirect.gather [hbm4b:s2+s13], $0x80, s16, s13, $0xb8;
	[tilespmem:$0x16400] =	vst v63  }
0x37: {  	_ =	swait.ge [sflag:s20], $0x4000  }
0x38: {  	[sflag:s20] =	ssyncset.done $0x0  }
0x39: {  	[sflag:s20] =	ssyncadd.s32 $0xFFFFC000  }
0x3a: {  	_ =	swait.ge [sflag:s21], $0x4000  }
0x3b: {  	[sflag:s21] =	ssyncset.done $0x0  }
0x3c: {  	[sflag:s21] =	ssyncadd.s32 $0xFFFFC000  }
0x3d: {  	[hbm4b:s10+s3] =	stream.linear.scatter [tilespmem:s14], [sflag:$0x5], $0x8000, $0x38;
	[tilespmem:$0x16400] =	vst v63  }
0x3e: {  	_ =	swait.ge [sflag:s22], $0x8000  }
0x3f: {  	[sflag:s22] =	ssyncset.done $0x0  }
0x40: {  	s23 =	simm.s32 $0x400;
	[sflag:s22] =	ssyncadd.s32 $0xFFFF8000  }
0x41: {  	[tilespmem:s14], [sflag:$0x1] =	stream.indirect.gather [hbm4b:s2+s13], $0x80, s23, s13, $0xb8;
	[tilespmem:$0x16400] =	vst v63  }
0x42: {  	s24 =	simm.s32 $0x480  }
0x43: {  	[tilespmem:s15], [sflag:$0x2] =	stream.indirect.gather [hbm4b:s2+s13], $0x80, s24, s13, $0xb8;
	[tilespmem:$0x16400] =	vst v63  }
0x44: {  	_ =	swait.ge [sflag:s25], $0x4000  }
0x45: {  	[sflag:s25] =	ssyncset.done $0x0  }
0x46: {  	[sflag:s25] =	ssyncadd.s32 $0xFFFFC000  }
0x47: {  	_ =	swait.ge [sflag:s26], $0x4000  }
0x48: {  	s0 =	sadd.s32 $0x2000, s10;
	s1 =	simm.s32 $0x800;
	[sflag:s26] =	ssyncset.done $0x0  }
0x49: {  	s11 =	smov.u32 s18;
	s16 =	sadd.s32 $0x2000, s18;
	[sflag:s26] =	ssyncadd.s32 $0xFFFFC000  }
.LBB2_2:
0x4a: {  	[hbm4b:s11+s3] =	stream.linear.scatter [tilespmem:s17], [sflag:$0x6], $0x8000, $0x38;
	[tilespmem:$0x16400] =	vst v63  }
0x4b: {  	s23 =	smov.u32 s1;
	s11 =	smov.u32 s16  }
0x4c: {  	p0 =	sne.s32 s1, $0x17800;
	s1 =	sadd.s32 $0x800, s1;
	_ =	swait.ge [sflag:s28], $0x8000  }
0x4d: {  	s23 =	sshra.s32 s23, $0x2;
	[sflag:s28] =	ssyncset.done $0x0  }
0x4e: {  	s24 =	sadd.s32 $0x300, s23;
	[sflag:s28] =	ssyncadd.s32 $0xFFFF8000  }
0x4f: {  	[tilespmem:s17], [sflag:$0x3] =	stream.indirect.gather [hbm4b:s2+s13], $0x80, s24, s13, $0xb8;
	[tilespmem:$0x16400] =	vst v63  }
0x50: {  	s24 =	sadd.s32 $0x380, s23  }
0x51: {  	[tilespmem:s19], [sflag:$0x4] =	stream.indirect.gather [hbm4b:s2+s13], $0x80, s24, s13, $0xb8;
	[tilespmem:$0x16400] =	vst v63  }
0x52: {  	_ =	swait.ge [sflag:s20], $0x4000  }
0x53: {  	[sflag:s20] =	ssyncset.done $0x0  }
0x54: {  	[sflag:s20] =	ssyncadd.s32 $0xFFFFC000  }
0x55: {  	_ =	swait.ge [sflag:s21], $0x4000  }
0x56: {  	[sflag:s21] =	ssyncset.done $0x0  }
0x57: {  	[sflag:s21] =	ssyncadd.s32 $0xFFFFC000  }
0x58: {  	[hbm4b:s0+s3] =	stream.linear.scatter [tilespmem:s14], [sflag:$0x5], $0x8000, $0x38;
	[tilespmem:$0x16400] =	vst v63  }
0x59: {  	_ =	swait.ge [sflag:s22], $0x8000  }
0x5a: {  	[sflag:s22] =	ssyncset.done $0x0  }
0x5b: {  	s24 =	sadd.s32 $0x400, s23;
	[sflag:s22] =	ssyncadd.s32 $0xFFFF8000  }
0x5c: {  	[tilespmem:s14], [sflag:$0x1] =	stream.indirect.gather [hbm4b:s2+s13], $0x80, s24, s13, $0xb8;
	[tilespmem:$0x16400] =	vst v63  }
0x5d: {  	s23 =	sadd.s32 $0x480, s23  }
0x5e: {  	[tilespmem:s15], [sflag:$0x2] =	stream.indirect.gather [hbm4b:s2+s13], $0x80, s23, s13, $0xb8;
	[tilespmem:$0x16400] =	vst v63  }
0x5f: {  	_ =	swait.ge [sflag:s25], $0x4000  }
.Ltmp0:
0x60: {  	[sflag:s25] =	ssyncset.done $0x0;
	(pc) =	sbr.rel @p0 .LBB2_2-.Ltmp0, $4  }
0x61: {  	[sflag:s25] =	ssyncadd.s32 $0xFFFFC000  }
0x62: {  	_ =	swait.ge [sflag:s26], $0x4000  }
0x63: {  	[sflag:s26] =	ssyncset.done $0x0  }
0x64: {  	s16 =	sadd.s32 $0x2000, s16;
	s0 =	sadd.s32 $0x2000, s0;
	[sflag:s26] =	ssyncadd.s32 $0xFFFFC000  }
0x65: {  	[hbm4b:s11+s3] =	stream.linear.scatter [tilespmem:s17], [sflag:$0x6], $0x8000, $0x38;
	[tilespmem:$0x16400] =	vst v63  }
0x66: {  	_ =	swait.ge [sflag:s28], $0x8000  }
0x67: {  	[sflag:s28] =	ssyncset.done $0x0  }
0x68: {  	[sflag:s28] =	ssyncadd.s32 $0xFFFF8000  }
0x69: {  	[tilespmem:s17], [sflag:$0x3] =	stream.indirect.gather [hbm4b:s2+s13], $0x80, s29, s13, $0xb8;
	[tilespmem:$0x16400] =	vst v63  }
0x6a: {  	_ = 	snop  }
0x6b: {  	[tilespmem:s19], [sflag:$0x4] =	stream.indirect.gather [hbm4b:s2+s13], $0x80, s30, s13, $0xb8;
	[tilespmem:$0x16400] =	vst v63  }
0x6c: {  	_ =	swait.ge [sflag:s20], $0x4000  }
0x6d: {  	[sflag:s20] =	ssyncset.done $0x0  }
0x6e: {  	[sflag:s20] =	ssyncadd.s32 $0xFFFFC000  }
0x6f: {  	_ =	swait.ge [sflag:s21], $0x4000  }
0x70: {  	[sflag:s21] =	ssyncset.done $0x0  }
0x71: {  	[sflag:s21] =	ssyncadd.s32 $0xFFFFC000  }
0x72: {  	[hbm4b:s8+s3] =	stream.linear.scatter [tilespmem:s14], [sflag:$0x5], $0x8000, $0x38;
	[tilespmem:$0x16400] =	vst v63  }
0x73: {  	_ =	swait.ge [sflag:s22], $0x8000  }
0x74: {  	[sflag:s22] =	ssyncset.done $0x0  }
0x75: {  	[sflag:s22] =	ssyncadd.s32 $0xFFFF8000  }
0x76: {  	_ =	swait.ge [sflag:s25], $0x4000  }
0x77: {  	[sflag:s25] =	ssyncset.done $0x0  }
0x78: {  	[sflag:s25] =	ssyncadd.s32 $0xFFFFC000  }
0x79: {  	s31 =	sadd.s32 $0x1, s31;
	_ =	swait.ge [sflag:s26], $0x4000  }
0x7a: {  	p0 =	sne.s32 s31, s6;
	[sflag:s26] =	ssyncset.done $0x0  }
.Ltmp1:
0x7b: {  	[sflag:s26] =	ssyncadd.s32 $0xFFFFC000;
	(pc) =	sbr.rel @p0 .LBB2_1-.Ltmp1, $4  }
0x7c: {  	[hbm4b:s9+s3] =	stream.linear.scatter [tilespmem:s17], [sflag:$0x6], $0x8000, $0x38;
	[tilespmem:$0x16400] =	vst v63  }
0x7d: {  	_ =	swait.ge [sflag:s28], $0x8000  }
0x7e: {  	[sflag:s28] =	ssyncset.done $0x0  }
0x7f: {  	[sflag:s28] =	ssyncadd.s32 $0xFFFF8000  }
0x80: {  	_ =	sfence.sel $0x180000  }
0x81: {  	[bflag:$0x0] =	sbarrier.arrive $0xFFFF  }
0x82: {  	_ =	strace $0x90000047  }
0x83: {  	s0 =	stileid.u32;
	[bflag:$0x2] =	sbarrier.arrive $0xFFFF  }
0x84: {  	p0 =	sne.s32 s0, $0x0;
	s0 =	rddreg [dreg:$0x3]  }
0x85: {  	s0 =	sadd.s32 @!p0 $0x100000, s0  }
0x86: {  	[sflag:s0] =	ssyncadd.tile.s32 @!p0 $0x1;
	_ =	shalt  }
.Lfunc_end2:
_tile_overlayer_lowered:
.L_overlay_start_2:
0x87: {  	(tag) =	ssettag $0x2  }
0x88: {  	s0 =	rddreg [dreg:$0x0];
	s2 =	stileid.u32  }
0x89: {  	s1 =	rddreg [dreg:$0x1];
	p0 =	sne.s32 s2, $0x0  }
0x8a: {  	s3 =	rddreg [dreg:$0x2];
	[bflag:$0x3] =	sbarrier.arrive $0xFFFF;
	s2 =	simm.s32 @!p0 $0x1C07  }
0x8b: {  	[timem:s3], [sflag:s2] =	dma.local @!p0 [hbm:s0], s1  }
0x8c: {  	s0 =	simm.s32 @!p0 $0x7  }
0x8d: {  	_ =	swait.ge @!p0 [sflag:s0], s1  }
0x8e: {  	s1 =	ssub.s32 @!p0 $0x0, s1;
	[sflag:s0] =	ssyncset.done @!p0 $0x0  }
0x8f: {  	[sflag:s0] =	ssyncadd.s32 @!p0 s1  }
0x90: {  	[bflag:$0x3] =	sbarrier.arrive $0xFFFF  }
0x91: {  	_ =	shalt  }

</sc_bundles>
